<compile_context>
chip_gen: v7x
topology: tpu7x:2x2x1
jax: 0.10.2.dev20260603
libtpu: 0.0.44.dev20260713+nightly
codegen_flags: <defaults>
</compile_context>

<pallas_src>
import functools

import jax
import jax.numpy as jnp
from jax import lax
from jax.experimental import pallas as pl
from jax.experimental.pallas import tpu as pltpu
from jax.experimental.pallas import tpu_sc as plsc

B, S, C = 4096, 26, 1000
NW = 32
RPW = B // NW
CB = 1
NB = 2
NCH = RPW // CB


def _scatter_chunk(buf, x_vmem, c, value):
    lanes0 = lax.iota(jnp.int32, 16)
    lanes1 = lanes0 + 16
    mask0 = lanes0 < S
    mask1 = lanes1 < S
    val = jnp.full((16,), value, jnp.float32)
    for r in range(CB):
        row = c * CB + r
        rvec_buf = jnp.full((16,), r, jnp.int32)
        rvec_x = jnp.full((16,), row, jnp.int32)
        for lanes, mask in ((lanes0, mask0), (lanes1, mask1)):
            xv = plsc.load_gather(x_vmem, [rvec_x, lanes], mask=mask)
            plsc.store_scatter(buf, [rvec_buf, lanes, xv], val, mask=mask)


def _sc_body(x_hbm, z_hbm, out_hbm, x_vmem, buf, sems):
    cid = lax.axis_index("c")
    sid = lax.axis_index("s")
    wid = sid * 2 + cid
    base = wid * RPW

    pltpu.sync_copy(x_hbm.at[pl.ds(base, RPW)], x_vmem)
    for b in range(NB):
        pltpu.sync_copy(z_hbm, buf.at[b])

    def step(g, carry):
        for b in range(NB):
            c = g * NB + b

            @pl.when(g > 0)
            def _reuse():
                pltpu.make_async_copy(
                    buf.at[b], out_hbm.at[pl.ds(base, CB)], sems.at[b]
                ).wait()
                _scatter_chunk(buf.at[b], x_vmem, c - NB, 0.0)

            _scatter_chunk(buf.at[b], x_vmem, c, 1.0)
            pltpu.async_copy(
                buf.at[b], out_hbm.at[pl.ds(base + c * CB, CB)], sems.at[b]
            )
        return carry

    lax.fori_loop(0, NCH // NB, step, 0)
    for b in range(NB):
        pltpu.make_async_copy(
            buf.at[b], out_hbm.at[pl.ds(base, CB)], sems.at[b]
        ).wait()


def kernel(x):
    z = jnp.zeros((CB, S, C), jnp.float32)
    mesh = plsc.VectorSubcoreMesh(core_axis_name="c", subcore_axis_name="s")
    run = functools.partial(
        pl.kernel,
        mesh=mesh,
        out_type=jax.ShapeDtypeStruct((B, S, C), jnp.float32),
        scratch_types=[
            pltpu.VMEM((RPW, S), jnp.int32),
            pltpu.VMEM((NB, CB, S, C), jnp.float32),
            pltpu.SemaphoreType.DMA((NB,)),
        ],
        compiler_params=pltpu.CompilerParams(needs_layout_passes=False),
    )(_sc_body)
    return run(x.astype(jnp.int32), z)

# --- scband reference (transcript-rebuilt; emitter-appended) ---
"""Pipeline reference for scband-one-hot-layer-56118042689878 (READ-ONLY COPY).

The authoritative reference and input builder live on the scoring server;
editing this copy changes nothing except your own understanding.
"""

import jax, jax.numpy as jnp
import numpy as np

NUM_CLASSES = 1000

def setup_inputs(seed: int = 0) -> dict:
    key = jax.random.key(seed)
    x = jax.random.randint(key, (4096, 26), 0, NUM_CLASSES, dtype=jnp.int64)
    return {"x": x}

def reference(x):
    # F.one_hot(x.to(int64), num_classes).float()
    return jax.nn.one_hot(x.astype(jnp.int64), NUM_CLASSES, dtype=jnp.float32)

if __name__ == "__main__":
    import jax
    _d = setup_inputs()
    print(jax.jit(kernel)(*tuple(_d.values())))

</pallas_src>

<mosaic_0001>
#map = affine_map<(d0, d1) -> (0, 0)>
#map1 = affine_map<(d0, d1) -> (0, 0, 0)>
module attributes {stable_mosaic.version = 14 : i64} {
  func.func @_sc_body(%arg0: i32, %arg1: i32, %arg2: memref<4096x26xi32, #tpu.memory_space<hbm>>, %arg3: memref<1x26x1000xf32, #tpu.memory_space<hbm>>, %arg4: memref<4096x26x1000xf32, #tpu.memory_space<hbm>>, %arg5: memref<128x26xi32, #tpu.memory_space<vmem>>, %arg6: memref<2x1x26x1000xf32, #tpu.memory_space<vmem>>, %arg7: memref<2x!tpu.dma_semaphore, #tpu.memory_space<semaphore_mem>>) attributes {dimension_semantics = [#tpu.dimension_semantics<core_parallel>, #tpu.dimension_semantics<subcore_parallel>], iteration_bounds = array<i64: 2, 16>, scalar_prefetch = 0 : i64, scratch_operands = 3 : i64, tpu.core_type = #tpu.core_type<sc_vector_subcore>, window_params = [{transform_indices = #map}, {transform_indices = #map1}, {transform_indices = #map1}]} {
    %mul3A = arith.constant 2 : i32
    %mul3A_0 = arith.muli %arg1, %mul3A : i32
    %add3A = arith.addi %mul3A_0, %arg0 : i32
    %mul3A_1 = arith.constant 128 : i32
    %mul3A_2 = arith.muli %add3A, %mul3A_1 : i32
    "tpu.region"() ({
      %run_scoped3A_48 = tpu.sem_alloc : memref<!tpu.dma_semaphore, #tpu.memory_space<semaphore_mem>>
      %dma_start3A = arith.constant 0 : i32
      %dma_start3A_49 = tpu.memref_slice %arg2[%mul3A_2, %dma_start3A] : memref<4096x26xi32, #tpu.memory_space<hbm>> -> memref<128x26xi32, #tpu.memory_space<hbm>>
      %dma_start3A_50 = arith.constant 0 : i32
      %dma_start3A_51 = tpu.memref_slice %arg2[%mul3A_2, %dma_start3A_50] : memref<4096x26xi32, #tpu.memory_space<hbm>> -> memref<128x26xi32, #tpu.memory_space<hbm>>
      tpu.enqueue_dma source(%dma_start3A_51 : memref<128x26xi32, #tpu.memory_space<hbm>>) target(%arg5 : memref<128x26xi32, #tpu.memory_space<vmem>>) target_semaphore(%run_scoped3A_48 : memref<!tpu.dma_semaphore, #tpu.memory_space<semaphore_mem>>)
      %dma_wait3A_52 = arith.constant 0 : i32
      %dma_wait3A_53 = tpu.memref_slice %arg2[%mul3A_2, %dma_wait3A_52] : memref<4096x26xi32, #tpu.memory_space<hbm>> -> memref<128x26xi32, #tpu.memory_space<hbm>>
      %dma_wait3A_54 = arith.constant 0 : i32
      %dma_wait3A_55 = tpu.memref_slice %arg2[%mul3A_2, %dma_wait3A_54] : memref<4096x26xi32, #tpu.memory_space<hbm>> -> memref<128x26xi32, #tpu.memory_space<hbm>>
      tpu.wait_dma2 semaphore(%run_scoped3A_48 : memref<!tpu.dma_semaphore, #tpu.memory_space<semaphore_mem>>) src(%dma_wait3A_55 : memref<128x26xi32, #tpu.memory_space<hbm>>) dst(%arg5 : memref<128x26xi32, #tpu.memory_space<vmem>>)
      tpu.yield
    }) : () -> ()
    %run_scoped3A = arith.constant 0 : i32
    "tpu.region"() ({
      %run_scoped3A_48 = tpu.sem_alloc : memref<!tpu.dma_semaphore, #tpu.memory_space<semaphore_mem>>
      %dma_start3A = arith.constant 0 : i32
      %dma_start3A_49 = arith.constant 0 : i32
      %dma_start3A_50 = arith.constant 0 : i32
      %dma_start3A_51 = tpu.memref_slice %arg6[%run_scoped3A, %dma_start3A, %dma_start3A_49, %dma_start3A_50] : memref<2x1x26x1000xf32, #tpu.memory_space<vmem>> -> memref<1x1x26x1000xf32, #tpu.memory_space<vmem>>
      %dma_start3A_52 = tpu.memref_squeeze %dma_start3A_51 : memref<1x1x26x1000xf32, #tpu.memory_space<vmem>> -> memref<1x26x1000xf32, #tpu.memory_space<vmem>>
      %dma_start3A_53 = arith.constant 0 : i32
      %dma_start3A_54 = arith.constant 0 : i32
      %dma_start3A_55 = arith.constant 0 : i32
      %dma_start3A_56 = tpu.memref_slice %arg6[%run_scoped3A, %dma_start3A_53, %dma_start3A_54, %dma_start3A_55] : memref<2x1x26x1000xf32, #tpu.memory_space<vmem>> -> memref<1x1x26x1000xf32, #tpu.memory_space<vmem>>
      %dma_start3A_57 = tpu.memref_squeeze %dma_start3A_56 : memref<1x1x26x1000xf32, #tpu.memory_space<vmem>> -> memref<1x26x1000xf32, #tpu.memory_space<vmem>>
      tpu.enqueue_dma source(%arg3 : memref<1x26x1000xf32, #tpu.memory_space<hbm>>) target(%dma_start3A_57 : memref<1x26x1000xf32, #tpu.memory_space<vmem>>) target_semaphore(%run_scoped3A_48 : memref<!tpu.dma_semaphore, #tpu.memory_space<semaphore_mem>>)
      %dma_wait3A_58 = arith.constant 0 : i32
      %dma_wait3A_59 = arith.constant 0 : i32
      %dma_wait3A_60 = arith.constant 0 : i32
      %dma_wait3A_61 = tpu.memref_slice %arg6[%run_scoped3A, %dma_wait3A_58, %dma_wait3A_59, %dma_wait3A_60] : memref<2x1x26x1000xf32, #tpu.memory_space<vmem>> -> memref<1x1x26x1000xf32, #tpu.memory_space<vmem>>
      %dma_wait3A_62 = tpu.memref_squeeze %dma_wait3A_61 : memref<1x1x26x1000xf32, #tpu.memory_space<vmem>> -> memref<1x26x1000xf32, #tpu.memory_space<vmem>>
      %dma_wait3A_63 = arith.constant 0 : i32
      %dma_wait3A_64 = arith.constant 0 : i32
      %dma_wait3A_65 = arith.constant 0 : i32
      %dma_wait3A_66 = tpu.memref_slice %arg6[%run_scoped3A, %dma_wait3A_63, %dma_wait3A_64, %dma_wait3A_65] : memref<2x1x26x1000xf32, #tpu.memory_space<vmem>> -> memref<1x1x26x1000xf32, #tpu.memory_space<vmem>>
      %dma_wait3A_67 = tpu.memref_squeeze %dma_wait3A_66 : memref<1x1x26x1000xf32, #tpu.memory_space<vmem>> -> memref<1x26x1000xf32, #tpu.memory_space<vmem>>
      tpu.wait_dma2 semaphore(%run_scoped3A_48 : memref<!tpu.dma_semaphore, #tpu.memory_space<semaphore_mem>>) src(%arg3 : memref<1x26x1000xf32, #tpu.memory_space<hbm>>) dst(%dma_wait3A_67 : memref<1x26x1000xf32, #tpu.memory_space<vmem>>)
      tpu.yield
    }) : () -> ()
    %run_scoped3A_3 = arith.constant 1 : i32
    "tpu.region"() ({
      %run_scoped3A_48 = tpu.sem_alloc : memref<!tpu.dma_semaphore, #tpu.memory_space<semaphore_mem>>
      %dma_start3A = arith.constant 0 : i32
      %dma_start3A_49 = arith.constant 0 : i32
      %dma_start3A_50 = arith.constant 0 : i32
      %dma_start3A_51 = tpu.memref_slice %arg6[%run_scoped3A_3, %dma_start3A, %dma_start3A_49, %dma_start3A_50] : memref<2x1x26x1000xf32, #tpu.memory_space<vmem>> -> memref<1x1x26x1000xf32, #tpu.memory_space<vmem>>
      %dma_start3A_52 = tpu.memref_squeeze %dma_start3A_51 : memref<1x1x26x1000xf32, #tpu.memory_space<vmem>> -> memref<1x26x1000xf32, #tpu.memory_space<vmem>>
      %dma_start3A_53 = arith.constant 0 : i32
      %dma_start3A_54 = arith.constant 0 : i32
      %dma_start3A_55 = arith.constant 0 : i32
      %dma_start3A_56 = tpu.memref_slice %arg6[%run_scoped3A_3, %dma_start3A_53, %dma_start3A_54, %dma_start3A_55] : memref<2x1x26x1000xf32, #tpu.memory_space<vmem>> -> memref<1x1x26x1000xf32, #tpu.memory_space<vmem>>
      %dma_start3A_57 = tpu.memref_squeeze %dma_start3A_56 : memref<1x1x26x1000xf32, #tpu.memory_space<vmem>> -> memref<1x26x1000xf32, #tpu.memory_space<vmem>>
      tpu.enqueue_dma source(%arg3 : memref<1x26x1000xf32, #tpu.memory_space<hbm>>) target(%dma_start3A_57 : memref<1x26x1000xf32, #tpu.memory_space<vmem>>) target_semaphore(%run_scoped3A_48 : memref<!tpu.dma_semaphore, #tpu.memory_space<semaphore_mem>>)
      %dma_wait3A_58 = arith.constant 0 : i32
      %dma_wait3A_59 = arith.constant 0 : i32
      %dma_wait3A_60 = arith.constant 0 : i32
      %dma_wait3A_61 = tpu.memref_slice %arg6[%run_scoped3A_3, %dma_wait3A_58, %dma_wait3A_59, %dma_wait3A_60] : memref<2x1x26x1000xf32, #tpu.memory_space<vmem>> -> memref<1x1x26x1000xf32, #tpu.memory_space<vmem>>
      %dma_wait3A_62 = tpu.memref_squeeze %dma_wait3A_61 : memref<1x1x26x1000xf32, #tpu.memory_space<vmem>> -> memref<1x26x1000xf32, #tpu.memory_space<vmem>>
      %dma_wait3A_63 = arith.constant 0 : i32
      %dma_wait3A_64 = arith.constant 0 : i32
      %dma_wait3A_65 = arith.constant 0 : i32
      %dma_wait3A_66 = tpu.memref_slice %arg6[%run_scoped3A_3, %dma_wait3A_63, %dma_wait3A_64, %dma_wait3A_65] : memref<2x1x26x1000xf32, #tpu.memory_space<vmem>> -> memref<1x1x26x1000xf32, #tpu.memory_space<vmem>>
      %dma_wait3A_67 = tpu.memref_squeeze %dma_wait3A_66 : memref<1x1x26x1000xf32, #tpu.memory_space<vmem>> -> memref<1x26x1000xf32, #tpu.memory_space<vmem>>
      tpu.wait_dma2 semaphore(%run_scoped3A_48 : memref<!tpu.dma_semaphore, #tpu.memory_space<semaphore_mem>>) src(%arg3 : memref<1x26x1000xf32, #tpu.memory_space<hbm>>) dst(%dma_wait3A_67 : memref<1x26x1000xf32, #tpu.memory_space<vmem>>)
      tpu.yield
    }) : () -> ()
    %scan3A = arith.constant 0 : i32
    %scan3A_4 = arith.constant 0 : i32
    %scan3A_5 = arith.constant 64 : i32
    %scan3A_6 = arith.addi %scan3A_4, %scan3A_5 : i32
    %scan3A_7 = arith.constant 1 : i32
    scf.for %scan3A_48 = %scan3A_4 to %scan3A_6 step %scan3A_7  : i32 {
      %mul3A_49 = arith.constant 2 : i32
      %mul3A_50 = arith.muli %scan3A_48, %mul3A_49 : i32
      %add3A_51 = arith.constant 0 : i32
      %add3A_52 = arith.addi %mul3A_50, %add3A_51 : i32
      %gt3A = arith.constant 0 : i32
      %gt3A_53 = arith.cmpi sgt, %scan3A_48, %gt3A : i32
      %convert_element_type3A = arith.extui %gt3A_53 : i1 to i32
      %cond3A = arith.constant 0 : i32
      %cond3A_54 = arith.cmpi ne, %convert_element_type3A, %cond3A : i32
      scf.if %cond3A_54 {
        %dma_wait3A_170 = arith.constant 0 : i32
        %dma_wait3A_171 = arith.constant 0 : i32
        %dma_wait3A_172 = arith.constant 0 : i32
        %dma_wait3A_173 = arith.constant 0 : i32
        %dma_wait3A_174 = arith.constant 0 : i32
        %dma_wait3A_175 = tpu.memref_slice %arg6[%dma_wait3A_170, %dma_wait3A_172, %dma_wait3A_173, %dma_wait3A_174] : memref<2x1x26x1000xf32, #tpu.memory_space<vmem>> -> memref<1x1x26x1000xf32, #tpu.memory_space<vmem>>
        %dma_wait3A_176 = tpu.memref_squeeze %dma_wait3A_175 : memref<1x1x26x1000xf32, #tpu.memory_space<vmem>> -> memref<1x26x1000xf32, #tpu.memory_space<vmem>>
        %dma_wait3A_177 = arith.constant 0 : i32
        %dma_wait3A_178 = arith.constant 0 : i32
        %dma_wait3A_179 = tpu.memref_slice %arg4[%mul3A_2, %dma_wait3A_177, %dma_wait3A_178] : memref<4096x26x1000xf32, #tpu.memory_space<hbm>> -> memref<1x26x1000xf32, #tpu.memory_space<hbm>>
        %dma_wait3A_180 = tpu.memref_slice %arg7[%dma_wait3A_171] : memref<2x!tpu.dma_semaphore, #tpu.memory_space<semaphore_mem>> -> memref<1x!tpu.dma_semaphore, #tpu.memory_space<semaphore_mem>>
        %dma_wait3A_181 = tpu.memref_squeeze %dma_wait3A_180 : memref<1x!tpu.dma_semaphore, #tpu.memory_space<semaphore_mem>> -> memref<!tpu.dma_semaphore, #tpu.memory_space<semaphore_mem>>
        %dma_wait3A_182 = arith.constant 0 : i32
        %dma_wait3A_183 = arith.constant 0 : i32
        %dma_wait3A_184 = tpu.memref_slice %arg4[%mul3A_2, %dma_wait3A_182, %dma_wait3A_183] : memref<4096x26x1000xf32, #tpu.memory_space<hbm>> -> memref<1x26x1000xf32, #tpu.memory_space<hbm>>
        %dma_wait3A_185 = arith.constant 0 : i32
        %dma_wait3A_186 = arith.constant 0 : i32
        %dma_wait3A_187 = arith.constant 0 : i32
        %dma_wait3A_188 = tpu.memref_slice %arg6[%dma_wait3A_170, %dma_wait3A_185, %dma_wait3A_186, %dma_wait3A_187] : memref<2x1x26x1000xf32, #tpu.memory_space<vmem>> -> memref<1x1x26x1000xf32, #tpu.memory_space<vmem>>
        %dma_wait3A_189 = tpu.memref_squeeze %dma_wait3A_188 : memref<1x1x26x1000xf32, #tpu.memory_space<vmem>> -> memref<1x26x1000xf32, #tpu.memory_space<vmem>>
        tpu.wait_dma2 semaphore(%dma_wait3A_181 : memref<!tpu.dma_semaphore, #tpu.memory_space<semaphore_mem>>) src(%dma_wait3A_189 : memref<1x26x1000xf32, #tpu.memory_space<vmem>>) dst(%dma_wait3A_184 : memref<1x26x1000xf32, #tpu.memory_space<hbm>>)
        %sub3A = arith.constant 2 : i32
        %sub3A_190 = arith.subi %add3A_52, %sub3A : i32
        %iota3A_191 = tpu.iota {dimensions = array<i32: 0>} : vector<16xi32>
        %add3A_192 = arith.constant 16 : i32
        %add3A_193 = vector.broadcast %add3A_192 : i32 to vector<16xi32>
        %add3A_194 = arith.addi %iota3A_191, %add3A_193 : vector<16xi32>
        %lt3A_195 = arith.constant 26 : i32
        %lt3A_196 = vector.broadcast %lt3A_195 : i32 to vector<16xi32>
        %lt3A_197 = arith.cmpi slt, %iota3A_191, %lt3A_196 : vector<16xi32>
        %lt3A_198 = arith.constant 26 : i32
        %lt3A_199 = vector.broadcast %lt3A_198 : i32 to vector<16xi32>
        %lt3A_200 = arith.cmpi slt, %add3A_194, %lt3A_199 : vector<16xi32>
        %broadcast_in_dim3A_201 = arith.constant 0.000000e+00 : f32
        %broadcast_in_dim3A_202 = vector.broadcast %broadcast_in_dim3A_201 : f32 to vector<16xf32>
        %mul3A_203 = arith.constant 1 : i32
        %mul3A_204 = arith.muli %sub3A_190, %mul3A_203 : i32
        %add3A_205 = arith.constant 0 : i32
        %add3A_206 = arith.addi %mul3A_204, %add3A_205 : i32
        %broadcast_in_dim3A_207 = arith.constant 0 : i32
        %broadcast_in_dim3A_208 = vector.broadcast %broadcast_in_dim3A_207 : i32 to vector<16xi32>
        %broadcast_in_dim3A_209 = vector.broadcast %add3A_206 : i32 to vector<16xi32>
        %gather3A_210 = tpu.vector_load_idx %arg5[%broadcast_in_dim3A_209, %iota3A_191] masked %lt3A_197 : memref<128x26xi32, #tpu.memory_space<vmem>>[vector<16xi32>, vector<16xi32>], vector<16xi32>, vector<16xi1>
        %scatter3A_211 = arith.constant 0 : i32
        %scatter3A_212 = arith.constant 0 : i32
        %scatter3A_213 = arith.constant 0 : i32
        %scatter3A_214 = arith.constant 0 : i32
        %scatter3A_215 = tpu.memref_slice %arg6[%scatter3A_211, %scatter3A_212, %scatter3A_213, %scatter3A_214] : memref<2x1x26x1000xf32, #tpu.memory_space<vmem>> -> memref<1x1x26x1000xf32, #tpu.memory_space<vmem>>
        %scatter3A_216 = tpu.memref_squeeze %scatter3A_215 : memref<1x1x26x1000xf32, #tpu.memory_space<vmem>> -> memref<1x26x1000xf32, #tpu.memory_space<vmem>>
        tpu.vector_store_idx %scatter3A_216[%broadcast_in_dim3A_208, %iota3A_191, %gather3A_210], %broadcast_in_dim3A_202 masked %lt3A_197 : memref<1x26x1000xf32, #tpu.memory_space<vmem>>[vector<16xi32>, vector<16xi32>, vector<16xi32>], vector<16xf32>, vector<16xi1>
        %gather3A_217 = tpu.vector_load_idx %arg5[%broadcast_in_dim3A_209, %add3A_194] masked %lt3A_200 : memref<128x26xi32, #tpu.memory_space<vmem>>[vector<16xi32>, vector<16xi32>], vector<16xi32>, vector<16xi1>
        %scatter3A_218 = arith.constant 0 : i32
        %scatter3A_219 = arith.constant 0 : i32
        %scatter3A_220 = arith.constant 0 : i32
        %scatter3A_221 = arith.constant 0 : i32
        %scatter3A_222 = tpu.memref_slice %arg6[%scatter3A_218, %scatter3A_219, %scatter3A_220, %scatter3A_221] : memref<2x1x26x1000xf32, #tpu.memory_space<vmem>> -> memref<1x1x26x1000xf32, #tpu.memory_space<vmem>>
        %scatter3A_223 = tpu.memref_squeeze %scatter3A_222 : memref<1x1x26x1000xf32, #tpu.memory_space<vmem>> -> memref<1x26x1000xf32, #tpu.memory_space<vmem>>
        tpu.vector_store_idx %scatter3A_223[%broadcast_in_dim3A_208, %add3A_194, %gather3A_217], %broadcast_in_dim3A_202 masked %lt3A_200 : memref<1x26x1000xf32, #tpu.memory_space<vmem>>[vector<16xi32>, vector<16xi32>, vector<16xi32>], vector<16xf32>, vector<16xi1>
      } else {
      }
      %iota3A = tpu.iota {dimensions = array<i32: 0>} : vector<16xi32>
      %add3A_55 = arith.constant 16 : i32
      %add3A_56 = vector.broadcast %add3A_55 : i32 to vector<16xi32>
      %add3A_57 = arith.addi %iota3A, %add3A_56 : vector<16xi32>
      %lt3A = arith.constant 26 : i32
      %lt3A_58 = vector.broadcast %lt3A : i32 to vector<16xi32>
      %lt3A_59 = arith.cmpi slt, %iota3A, %lt3A_58 : vector<16xi32>
      %lt3A_60 = arith.constant 26 : i32
      %lt3A_61 = vector.broadcast %lt3A_60 : i32 to vector<16xi32>
      %lt3A_62 = arith.cmpi slt, %add3A_57, %lt3A_61 : vector<16xi32>
      %broadcast_in_dim3A = arith.constant 1.000000e+00 : f32
      %broadcast_in_dim3A_63 = vector.broadcast %broadcast_in_dim3A : f32 to vector<16xf32>
      %mul3A_64 = arith.constant 1 : i32
      %mul3A_65 = arith.muli %add3A_52, %mul3A_64 : i32
      %add3A_66 = arith.constant 0 : i32
      %add3A_67 = arith.addi %mul3A_65, %add3A_66 : i32
      %broadcast_in_dim3A_68 = arith.constant 0 : i32
      %broadcast_in_dim3A_69 = vector.broadcast %broadcast_in_dim3A_68 : i32 to vector<16xi32>
      %broadcast_in_dim3A_70 = vector.broadcast %add3A_67 : i32 to vector<16xi32>
      %gather3A = tpu.vector_load_idx %arg5[%broadcast_in_dim3A_70, %iota3A] masked %lt3A_59 : memref<128x26xi32, #tpu.memory_space<vmem>>[vector<16xi32>, vector<16xi32>], vector<16xi32>, vector<16xi1>
      %scatter3A = arith.constant 0 : i32
      %scatter3A_71 = arith.constant 0 : i32
      %scatter3A_72 = arith.constant 0 : i32
      %scatter3A_73 = arith.constant 0 : i32
      %scatter3A_74 = tpu.memref_slice %arg6[%scatter3A, %scatter3A_71, %scatter3A_72, %scatter3A_73] : memref<2x1x26x1000xf32, #tpu.memory_space<vmem>> -> memref<1x1x26x1000xf32, #tpu.memory_space<vmem>>
      %scatter3A_75 = tpu.memref_squeeze %scatter3A_74 : memref<1x1x26x1000xf32, #tpu.memory_space<vmem>> -> memref<1x26x1000xf32, #tpu.memory_space<vmem>>
      tpu.vector_store_idx %scatter3A_75[%broadcast_in_dim3A_69, %iota3A, %gather3A], %broadcast_in_dim3A_63 masked %lt3A_59 : memref<1x26x1000xf32, #tpu.memory_space<vmem>>[vector<16xi32>, vector<16xi32>, vector<16xi32>], vector<16xf32>, vector<16xi1>
      %gather3A_76 = tpu.vector_load_idx %arg5[%broadcast_in_dim3A_70, %add3A_57] masked %lt3A_62 : memref<128x26xi32, #tpu.memory_space<vmem>>[vector<16xi32>, vector<16xi32>], vector<16xi32>, vector<16xi1>
      %scatter3A_77 = arith.constant 0 : i32
      %scatter3A_78 = arith.constant 0 : i32
      %scatter3A_79 = arith.constant 0 : i32
      %scatter3A_80 = arith.constant 0 : i32
      %scatter3A_81 = tpu.memref_slice %arg6[%scatter3A_77, %scatter3A_78, %scatter3A_79, %scatter3A_80] : memref<2x1x26x1000xf32, #tpu.memory_space<vmem>> -> memref<1x1x26x1000xf32, #tpu.memory_space<vmem>>
      %scatter3A_82 = tpu.memref_squeeze %scatter3A_81 : memref<1x1x26x1000xf32, #tpu.memory_space<vmem>> -> memref<1x26x1000xf32, #tpu.memory_space<vmem>>
      tpu.vector_store_idx %scatter3A_82[%broadcast_in_dim3A_69, %add3A_57, %gather3A_76], %broadcast_in_dim3A_63 masked %lt3A_62 : memref<1x26x1000xf32, #tpu.memory_space<vmem>>[vector<16xi32>, vector<16xi32>, vector<16xi32>], vector<16xf32>, vector<16xi1>
      %mul3A_83 = arith.constant 1 : i32
      %mul3A_84 = arith.muli %add3A_52, %mul3A_83 : i32
      %add3A_85 = arith.addi %mul3A_2, %mul3A_84 : i32
      %dma_start3A = arith.constant 0 : i32
      %dma_start3A_86 = arith.constant 0 : i32
      %dma_start3A_87 = arith.constant 0 : i32
      %dma_start3A_88 = arith.constant 0 : i32
      %dma_start3A_89 = arith.constant 0 : i32
      %dma_start3A_90 = tpu.memref_slice %arg6[%dma_start3A, %dma_start3A_87, %dma_start3A_88, %dma_start3A_89] : memref<2x1x26x1000xf32, #tpu.memory_space<vmem>> -> memref<1x1x26x1000xf32, #tpu.memory_space<vmem>>
      %dma_start3A_91 = tpu.memref_squeeze %dma_start3A_90 : memref<1x1x26x1000xf32, #tpu.memory_space<vmem>> -> memref<1x26x1000xf32, #tpu.memory_space<vmem>>
      %dma_start3A_92 = arith.constant 0 : i32
      %dma_start3A_93 = arith.constant 0 : i32
      %dma_start3A_94 = tpu.memref_slice %arg4[%add3A_85, %dma_start3A_92, %dma_start3A_93] : memref<4096x26x1000xf32, #tpu.memory_space<hbm>> -> memref<1x26x1000xf32, #tpu.memory_space<hbm>>
      %dma_start3A_95 = tpu.memref_slice %arg7[%dma_start3A_86] : memref<2x!tpu.dma_semaphore, #tpu.memory_space<semaphore_mem>> -> memref<1x!tpu.dma_semaphore, #tpu.memory_space<semaphore_mem>>
      %dma_start3A_96 = tpu.memref_squeeze %dma_start3A_95 : memref<1x!tpu.dma_semaphore, #tpu.memory_space<semaphore_mem>> -> memref<!tpu.dma_semaphore, #tpu.memory_space<semaphore_mem>>
      %dma_start3A_97 = arith.constant 0 : i32
      %dma_start3A_98 = arith.constant 0 : i32
      %dma_start3A_99 = tpu.memref_slice %arg4[%add3A_85, %dma_start3A_97, %dma_start3A_98] : memref<4096x26x1000xf32, #tpu.memory_space<hbm>> -> memref<1x26x1000xf32, #tpu.memory_space<hbm>>
      %dma_start3A_100 = arith.constant 0 : i32
      %dma_start3A_101 = arith.constant 0 : i32
      %dma_start3A_102 = arith.constant 0 : i32
      %dma_start3A_103 = tpu.memref_slice %arg6[%dma_start3A, %dma_start3A_100, %dma_start3A_101, %dma_start3A_102] : memref<2x1x26x1000xf32, #tpu.memory_space<vmem>> -> memref<1x1x26x1000xf32, #tpu.memory_space<vmem>>
      %dma_start3A_104 = tpu.memref_squeeze %dma_start3A_103 : memref<1x1x26x1000xf32, #tpu.memory_space<vmem>> -> memref<1x26x1000xf32, #tpu.memory_space<vmem>>
      tpu.enqueue_dma source(%dma_start3A_104 : memref<1x26x1000xf32, #tpu.memory_space<vmem>>) target(%dma_start3A_99 : memref<1x26x1000xf32, #tpu.memory_space<hbm>>) target_semaphore(%dma_start3A_96 : memref<!tpu.dma_semaphore, #tpu.memory_space<semaphore_mem>>)
      %mul3A_105 = arith.constant 2 : i32
      %mul3A_106 = arith.muli %scan3A_48, %mul3A_105 : i32
      %add3A_107 = arith.constant 1 : i32
      %add3A_108 = arith.addi %mul3A_106, %add3A_107 : i32
      %gt3A_109 = arith.constant 0 : i32
      %gt3A_110 = arith.cmpi sgt, %scan3A_48, %gt3A_109 : i32
      %convert_element_type3A_111 = arith.extui %gt3A_110 : i1 to i32
      %cond3A_112 = arith.constant 0 : i32
      %cond3A_113 = arith.cmpi ne, %convert_element_type3A_111, %cond3A_112 : i32
      scf.if %cond3A_113 {
        %dma_wait3A_170 = arith.constant 1 : i32
        %dma_wait3A_171 = arith.constant 1 : i32
        %dma_wait3A_172 = arith.constant 0 : i32
        %dma_wait3A_173 = arith.constant 0 : i32
        %dma_wait3A_174 = arith.constant 0 : i32
        %dma_wait3A_175 = tpu.memref_slice %arg6[%dma_wait3A_170, %dma_wait3A_172, %dma_wait3A_173, %dma_wait3A_174] : memref<2x1x26x1000xf32, #tpu.memory_space<vmem>> -> memref<1x1x26x1000xf32, #tpu.memory_space<vmem>>
        %dma_wait3A_176 = tpu.memref_squeeze %dma_wait3A_175 : memref<1x1x26x1000xf32, #tpu.memory_space<vmem>> -> memref<1x26x1000xf32, #tpu.memory_space<vmem>>
        %dma_wait3A_177 = arith.constant 0 : i32
        %dma_wait3A_178 = arith.constant 0 : i32
        %dma_wait3A_179 = tpu.memref_slice %arg4[%mul3A_2, %dma_wait3A_177, %dma_wait3A_178] : memref<4096x26x1000xf32, #tpu.memory_space<hbm>> -> memref<1x26x1000xf32, #tpu.memory_space<hbm>>
        %dma_wait3A_180 = tpu.memref_slice %arg7[%dma_wait3A_171] : memref<2x!tpu.dma_semaphore, #tpu.memory_space<semaphore_mem>> -> memref<1x!tpu.dma_semaphore, #tpu.memory_space<semaphore_mem>>
        %dma_wait3A_181 = tpu.memref_squeeze %dma_wait3A_180 : memref<1x!tpu.dma_semaphore, #tpu.memory_space<semaphore_mem>> -> memref<!tpu.dma_semaphore, #tpu.memory_space<semaphore_mem>>
        %dma_wait3A_182 = arith.constant 0 : i32
        %dma_wait3A_183 = arith.constant 0 : i32
        %dma_wait3A_184 = tpu.memref_slice %arg4[%mul3A_2, %dma_wait3A_182, %dma_wait3A_183] : memref<4096x26x1000xf32, #tpu.memory_space<hbm>> -> memref<1x26x1000xf32, #tpu.memory_space<hbm>>
        %dma_wait3A_185 = arith.constant 0 : i32
        %dma_wait3A_186 = arith.constant 0 : i32
        %dma_wait3A_187 = arith.constant 0 : i32
        %dma_wait3A_188 = tpu.memref_slice %arg6[%dma_wait3A_170, %dma_wait3A_185, %dma_wait3A_186, %dma_wait3A_187] : memref<2x1x26x1000xf32, #tpu.memory_space<vmem>> -> memref<1x1x26x1000xf32, #tpu.memory_space<vmem>>
        %dma_wait3A_189 = tpu.memref_squeeze %dma_wait3A_188 : memref<1x1x26x1000xf32, #tpu.memory_space<vmem>> -> memref<1x26x1000xf32, #tpu.memory_space<vmem>>
        tpu.wait_dma2 semaphore(%dma_wait3A_181 : memref<!tpu.dma_semaphore, #tpu.memory_space<semaphore_mem>>) src(%dma_wait3A_189 : memref<1x26x1000xf32, #tpu.memory_space<vmem>>) dst(%dma_wait3A_184 : memref<1x26x1000xf32, #tpu.memory_space<hbm>>)
        %sub3A = arith.constant 2 : i32
        %sub3A_190 = arith.subi %add3A_108, %sub3A : i32
        %iota3A_191 = tpu.iota {dimensions = array<i32: 0>} : vector<16xi32>
        %add3A_192 = arith.constant 16 : i32
        %add3A_193 = vector.broadcast %add3A_192 : i32 to vector<16xi32>
        %add3A_194 = arith.addi %iota3A_191, %add3A_193 : vector<16xi32>
        %lt3A_195 = arith.constant 26 : i32
        %lt3A_196 = vector.broadcast %lt3A_195 : i32 to vector<16xi32>
        %lt3A_197 = arith.cmpi slt, %iota3A_191, %lt3A_196 : vector<16xi32>
        %lt3A_198 = arith.constant 26 : i32
        %lt3A_199 = vector.broadcast %lt3A_198 : i32 to vector<16xi32>
        %lt3A_200 = arith.cmpi slt, %add3A_194, %lt3A_199 : vector<16xi32>
        %broadcast_in_dim3A_201 = arith.constant 0.000000e+00 : f32
        %broadcast_in_dim3A_202 = vector.broadcast %broadcast_in_dim3A_201 : f32 to vector<16xf32>
        %mul3A_203 = arith.constant 1 : i32
        %mul3A_204 = arith.muli %sub3A_190, %mul3A_203 : i32
        %add3A_205 = arith.constant 0 : i32
        %add3A_206 = arith.addi %mul3A_204, %add3A_205 : i32
        %broadcast_in_dim3A_207 = arith.constant 0 : i32
        %broadcast_in_dim3A_208 = vector.broadcast %broadcast_in_dim3A_207 : i32 to vector<16xi32>
        %broadcast_in_dim3A_209 = vector.broadcast %add3A_206 : i32 to vector<16xi32>
        %gather3A_210 = tpu.vector_load_idx %arg5[%broadcast_in_dim3A_209, %iota3A_191] masked %lt3A_197 : memref<128x26xi32, #tpu.memory_space<vmem>>[vector<16xi32>, vector<16xi32>], vector<16xi32>, vector<16xi1>
        %scatter3A_211 = arith.constant 1 : i32
        %scatter3A_212 = arith.constant 0 : i32
        %scatter3A_213 = arith.constant 0 : i32
        %scatter3A_214 = arith.constant 0 : i32
        %scatter3A_215 = tpu.memref_slice %arg6[%scatter3A_211, %scatter3A_212, %scatter3A_213, %scatter3A_214] : memref<2x1x26x1000xf32, #tpu.memory_space<vmem>> -> memref<1x1x26x1000xf32, #tpu.memory_space<vmem>>
        %scatter3A_216 = tpu.memref_squeeze %scatter3A_215 : memref<1x1x26x1000xf32, #tpu.memory_space<vmem>> -> memref<1x26x1000xf32, #tpu.memory_space<vmem>>
        tpu.vector_store_idx %scatter3A_216[%broadcast_in_dim3A_208, %iota3A_191, %gather3A_210], %broadcast_in_dim3A_202 masked %lt3A_197 : memref<1x26x1000xf32, #tpu.memory_space<vmem>>[vector<16xi32>, vector<16xi32>, vector<16xi32>], vector<16xf32>, vector<16xi1>
        %gather3A_217 = tpu.vector_load_idx %arg5[%broadcast_in_dim3A_209, %add3A_194] masked %lt3A_200 : memref<128x26xi32, #tpu.memory_space<vmem>>[vector<16xi32>, vector<16xi32>], vector<16xi32>, vector<16xi1>
        %scatter3A_218 = arith.constant 1 : i32
        %scatter3A_219 = arith.constant 0 : i32
        %scatter3A_220 = arith.constant 0 : i32
        %scatter3A_221 = arith.constant 0 : i32
        %scatter3A_222 = tpu.memref_slice %arg6[%scatter3A_218, %scatter3A_219, %scatter3A_220, %scatter3A_221] : memref<2x1x26x1000xf32, #tpu.memory_space<vmem>> -> memref<1x1x26x1000xf32, #tpu.memory_space<vmem>>
        %scatter3A_223 = tpu.memref_squeeze %scatter3A_222 : memref<1x1x26x1000xf32, #tpu.memory_space<vmem>> -> memref<1x26x1000xf32, #tpu.memory_space<vmem>>
        tpu.vector_store_idx %scatter3A_223[%broadcast_in_dim3A_208, %add3A_194, %gather3A_217], %broadcast_in_dim3A_202 masked %lt3A_200 : memref<1x26x1000xf32, #tpu.memory_space<vmem>>[vector<16xi32>, vector<16xi32>, vector<16xi32>], vector<16xf32>, vector<16xi1>
      } else {
      }
      %iota3A_114 = tpu.iota {dimensions = array<i32: 0>} : vector<16xi32>
      %add3A_115 = arith.constant 16 : i32
      %add3A_116 = vector.broadcast %add3A_115 : i32 to vector<16xi32>
      %add3A_117 = arith.addi %iota3A_114, %add3A_116 : vector<16xi32>
      %lt3A_118 = arith.constant 26 : i32
      %lt3A_119 = vector.broadcast %lt3A_118 : i32 to vector<16xi32>
      %lt3A_120 = arith.cmpi slt, %iota3A_114, %lt3A_119 : vector<16xi32>
      %lt3A_121 = arith.constant 26 : i32
      %lt3A_122 = vector.broadcast %lt3A_121 : i32 to vector<16xi32>
      %lt3A_123 = arith.cmpi slt, %add3A_117, %lt3A_122 : vector<16xi32>
      %broadcast_in_dim3A_124 = arith.constant 1.000000e+00 : f32
      %broadcast_in_dim3A_125 = vector.broadcast %broadcast_in_dim3A_124 : f32 to vector<16xf32>
      %mul3A_126 = arith.constant 1 : i32
      %mul3A_127 = arith.muli %add3A_108, %mul3A_126 : i32
      %add3A_128 = arith.constant 0 : i32
      %add3A_129 = arith.addi %mul3A_127, %add3A_128 : i32
      %broadcast_in_dim3A_130 = arith.constant 0 : i32
      %broadcast_in_dim3A_131 = vector.broadcast %broadcast_in_dim3A_130 : i32 to vector<16xi32>
      %broadcast_in_dim3A_132 = vector.broadcast %add3A_129 : i32 to vector<16xi32>
      %gather3A_133 = tpu.vector_load_idx %arg5[%broadcast_in_dim3A_132, %iota3A_114] masked %lt3A_120 : memref<128x26xi32, #tpu.memory_space<vmem>>[vector<16xi32>, vector<16xi32>], vector<16xi32>, vector<16xi1>
      %scatter3A_134 = arith.constant 1 : i32
      %scatter3A_135 = arith.constant 0 : i32
      %scatter3A_136 = arith.constant 0 : i32
      %scatter3A_137 = arith.constant 0 : i32
      %scatter3A_138 = tpu.memref_slice %arg6[%scatter3A_134, %scatter3A_135, %scatter3A_136, %scatter3A_137] : memref<2x1x26x1000xf32, #tpu.memory_space<vmem>> -> memref<1x1x26x1000xf32, #tpu.memory_space<vmem>>
      %scatter3A_139 = tpu.memref_squeeze %scatter3A_138 : memref<1x1x26x1000xf32, #tpu.memory_space<vmem>> -> memref<1x26x1000xf32, #tpu.memory_space<vmem>>
      tpu.vector_store_idx %scatter3A_139[%broadcast_in_dim3A_131, %iota3A_114, %gather3A_133], %broadcast_in_dim3A_125 masked %lt3A_120 : memref<1x26x1000xf32, #tpu.memory_space<vmem>>[vector<16xi32>, vector<16xi32>, vector<16xi32>], vector<16xf32>, vector<16xi1>
      %gather3A_140 = tpu.vector_load_idx %arg5[%broadcast_in_dim3A_132, %add3A_117] masked %lt3A_123 : memref<128x26xi32, #tpu.memory_space<vmem>>[vector<16xi32>, vector<16xi32>], vector<16xi32>, vector<16xi1>
      %scatter3A_141 = arith.constant 1 : i32
      %scatter3A_142 = arith.constant 0 : i32
      %scatter3A_143 = arith.constant 0 : i32
      %scatter3A_144 = arith.constant 0 : i32
      %scatter3A_145 = tpu.memref_slice %arg6[%scatter3A_141, %scatter3A_142, %scatter3A_143, %scatter3A_144] : memref<2x1x26x1000xf32, #tpu.memory_space<vmem>> -> memref<1x1x26x1000xf32, #tpu.memory_space<vmem>>
      %scatter3A_146 = tpu.memref_squeeze %scatter3A_145 : memref<1x1x26x1000xf32, #tpu.memory_space<vmem>> -> memref<1x26x1000xf32, #tpu.memory_space<vmem>>
      tpu.vector_store_idx %scatter3A_146[%broadcast_in_dim3A_131, %add3A_117, %gather3A_140], %broadcast_in_dim3A_125 masked %lt3A_123 : memref<1x26x1000xf32, #tpu.memory_space<vmem>>[vector<16xi32>, vector<16xi32>, vector<16xi32>], vector<16xf32>, vector<16xi1>
      %mul3A_147 = arith.constant 1 : i32
      %mul3A_148 = arith.muli %add3A_108, %mul3A_147 : i32
      %add3A_149 = arith.addi %mul3A_2, %mul3A_148 : i32
      %dma_start3A_150 = arith.constant 1 : i32
      %dma_start3A_151 = arith.constant 1 : i32
      %dma_start3A_152 = arith.constant 0 : i32
      %dma_start3A_153 = arith.constant 0 : i32
      %dma_start3A_154 = arith.constant 0 : i32
      %dma_start3A_155 = tpu.memref_slice %arg6[%dma_start3A_150, %dma_start3A_152, %dma_start3A_153, %dma_start3A_154] : memref<2x1x26x1000xf32, #tpu.memory_space<vmem>> -> memref<1x1x26x1000xf32, #tpu.memory_space<vmem>>
      %dma_start3A_156 = tpu.memref_squeeze %dma_start3A_155 : memref<1x1x26x1000xf32, #tpu.memory_space<vmem>> -> memref<1x26x1000xf32, #tpu.memory_space<vmem>>
      %dma_start3A_157 = arith.constant 0 : i32
      %dma_start3A_158 = arith.constant 0 : i32
      %dma_start3A_159 = tpu.memref_slice %arg4[%add3A_149, %dma_start3A_157, %dma_start3A_158] : memref<4096x26x1000xf32, #tpu.memory_space<hbm>> -> memref<1x26x1000xf32, #tpu.memory_space<hbm>>
      %dma_start3A_160 = tpu.memref_slice %arg7[%dma_start3A_151] : memref<2x!tpu.dma_semaphore, #tpu.memory_space<semaphore_mem>> -> memref<1x!tpu.dma_semaphore, #tpu.memory_space<semaphore_mem>>
      %dma_start3A_161 = tpu.memref_squeeze %dma_start3A_160 : memref<1x!tpu.dma_semaphore, #tpu.memory_space<semaphore_mem>> -> memref<!tpu.dma_semaphore, #tpu.memory_space<semaphore_mem>>
      %dma_start3A_162 = arith.constant 0 : i32
      %dma_start3A_163 = arith.constant 0 : i32
      %dma_start3A_164 = tpu.memref_slice %arg4[%add3A_149, %dma_start3A_162, %dma_start3A_163] : memref<4096x26x1000xf32, #tpu.memory_space<hbm>> -> memref<1x26x1000xf32, #tpu.memory_space<hbm>>
      %dma_start3A_165 = arith.constant 0 : i32
      %dma_start3A_166 = arith.constant 0 : i32
      %dma_start3A_167 = arith.constant 0 : i32
      %dma_start3A_168 = tpu.memref_slice %arg6[%dma_start3A_150, %dma_start3A_165, %dma_start3A_166, %dma_start3A_167] : memref<2x1x26x1000xf32, #tpu.memory_space<vmem>> -> memref<1x1x26x1000xf32, #tpu.memory_space<vmem>>
      %dma_start3A_169 = tpu.memref_squeeze %dma_start3A_168 : memref<1x1x26x1000xf32, #tpu.memory_space<vmem>> -> memref<1x26x1000xf32, #tpu.memory_space<vmem>>
      tpu.enqueue_dma source(%dma_start3A_169 : memref<1x26x1000xf32, #tpu.memory_space<vmem>>) target(%dma_start3A_164 : memref<1x26x1000xf32, #tpu.memory_space<hbm>>) target_semaphore(%dma_start3A_161 : memref<!tpu.dma_semaphore, #tpu.memory_space<semaphore_mem>>)
    }
    %scan3A_8 = arith.constant 64 : i32
    %dma_wait3A = arith.constant 0 : i32
    %dma_wait3A_9 = arith.constant 0 : i32
    %dma_wait3A_10 = arith.constant 0 : i32
    %dma_wait3A_11 = arith.constant 0 : i32
    %dma_wait3A_12 = arith.constant 0 : i32
    %dma_wait3A_13 = tpu.memref_slice %arg6[%dma_wait3A, %dma_wait3A_10, %dma_wait3A_11, %dma_wait3A_12] : memref<2x1x26x1000xf32, #tpu.memory_space<vmem>> -> memref<1x1x26x1000xf32, #tpu.memory_space<vmem>>
    %dma_wait3A_14 = tpu.memref_squeeze %dma_wait3A_13 : memref<1x1x26x1000xf32, #tpu.memory_space<vmem>> -> memref<1x26x1000xf32, #tpu.memory_space<vmem>>
    %dma_wait3A_15 = arith.constant 0 : i32
    %dma_wait3A_16 = arith.constant 0 : i32
    %dma_wait3A_17 = tpu.memref_slice %arg4[%mul3A_2, %dma_wait3A_15, %dma_wait3A_16] : memref<4096x26x1000xf32, #tpu.memory_space<hbm>> -> memref<1x26x1000xf32, #tpu.memory_space<hbm>>
    %dma_wait3A_18 = tpu.memref_slice %arg7[%dma_wait3A_9] : memref<2x!tpu.dma_semaphore, #tpu.memory_space<semaphore_mem>> -> memref<1x!tpu.dma_semaphore, #tpu.memory_space<semaphore_mem>>
    %dma_wait3A_19 = tpu.memref_squeeze %dma_wait3A_18 : memref<1x!tpu.dma_semaphore, #tpu.memory_space<semaphore_mem>> -> memref<!tpu.dma_semaphore, #tpu.memory_space<semaphore_mem>>
    %dma_wait3A_20 = arith.constant 0 : i32
    %dma_wait3A_21 = arith.constant 0 : i32
    %dma_wait3A_22 = tpu.memref_slice %arg4[%mul3A_2, %dma_wait3A_20, %dma_wait3A_21] : memref<4096x26x1000xf32, #tpu.memory_space<hbm>> -> memref<1x26x1000xf32, #tpu.memory_space<hbm>>
    %dma_wait3A_23 = arith.constant 0 : i32
    %dma_wait3A_24 = arith.constant 0 : i32
    %dma_wait3A_25 = arith.constant 0 : i32
    %dma_wait3A_26 = tpu.memref_slice %arg6[%dma_wait3A, %dma_wait3A_23, %dma_wait3A_24, %dma_wait3A_25] : memref<2x1x26x1000xf32, #tpu.memory_space<vmem>> -> memref<1x1x26x1000xf32, #tpu.memory_space<vmem>>
    %dma_wait3A_27 = tpu.memref_squeeze %dma_wait3A_26 : memref<1x1x26x1000xf32, #tpu.memory_space<vmem>> -> memref<1x26x1000xf32, #tpu.memory_space<vmem>>
    tpu.wait_dma2 semaphore(%dma_wait3A_19 : memref<!tpu.dma_semaphore, #tpu.memory_space<semaphore_mem>>) src(%dma_wait3A_27 : memref<1x26x1000xf32, #tpu.memory_space<vmem>>) dst(%dma_wait3A_22 : memref<1x26x1000xf32, #tpu.memory_space<hbm>>)
    %dma_wait3A_28 = arith.constant 1 : i32
    %dma_wait3A_29 = arith.constant 1 : i32
    %dma_wait3A_30 = arith.constant 0 : i32
    %dma_wait3A_31 = arith.constant 0 : i32
    %dma_wait3A_32 = arith.constant 0 : i32
    %dma_wait3A_33 = tpu.memref_slice %arg6[%dma_wait3A_28, %dma_wait3A_30, %dma_wait3A_31, %dma_wait3A_32] : memref<2x1x26x1000xf32, #tpu.memory_space<vmem>> -> memref<1x1x26x1000xf32, #tpu.memory_space<vmem>>
    %dma_wait3A_34 = tpu.memref_squeeze %dma_wait3A_33 : memref<1x1x26x1000xf32, #tpu.memory_space<vmem>> -> memref<1x26x1000xf32, #tpu.memory_space<vmem>>
    %dma_wait3A_35 = arith.constant 0 : i32
    %dma_wait3A_36 = arith.constant 0 : i32
    %dma_wait3A_37 = tpu.memref_slice %arg4[%mul3A_2, %dma_wait3A_35, %dma_wait3A_36] : memref<4096x26x1000xf32, #tpu.memory_space<hbm>> -> memref<1x26x1000xf32, #tpu.memory_space<hbm>>
    %dma_wait3A_38 = tpu.memref_slice %arg7[%dma_wait3A_29] : memref<2x!tpu.dma_semaphore, #tpu.memory_space<semaphore_mem>> -> memref<1x!tpu.dma_semaphore, #tpu.memory_space<semaphore_mem>>
    %dma_wait3A_39 = tpu.memref_squeeze %dma_wait3A_38 : memref<1x!tpu.dma_semaphore, #tpu.memory_space<semaphore_mem>> -> memref<!tpu.dma_semaphore, #tpu.memory_space<semaphore_mem>>
    %dma_wait3A_40 = arith.constant 0 : i32
    %dma_wait3A_41 = arith.constant 0 : i32
    %dma_wait3A_42 = tpu.memref_slice %arg4[%mul3A_2, %dma_wait3A_40, %dma_wait3A_41] : memref<4096x26x1000xf32, #tpu.memory_space<hbm>> -> memref<1x26x1000xf32, #tpu.memory_space<hbm>>
    %dma_wait3A_43 = arith.constant 0 : i32
    %dma_wait3A_44 = arith.constant 0 : i32
    %dma_wait3A_45 = arith.constant 0 : i32
    %dma_wait3A_46 = tpu.memref_slice %arg6[%dma_wait3A_28, %dma_wait3A_43, %dma_wait3A_44, %dma_wait3A_45] : memref<2x1x26x1000xf32, #tpu.memory_space<vmem>> -> memref<1x1x26x1000xf32, #tpu.memory_space<vmem>>
    %dma_wait3A_47 = tpu.memref_squeeze %dma_wait3A_46 : memref<1x1x26x1000xf32, #tpu.memory_space<vmem>> -> memref<1x26x1000xf32, #tpu.memory_space<vmem>>
    tpu.wait_dma2 semaphore(%dma_wait3A_39 : memref<!tpu.dma_semaphore, #tpu.memory_space<semaphore_mem>>) src(%dma_wait3A_47 : memref<1x26x1000xf32, #tpu.memory_space<vmem>>) dst(%dma_wait3A_42 : memref<1x26x1000xf32, #tpu.memory_space<hbm>>)
    return
  }
}

</mosaic_0001>

<sc_bundles>
// kernel: kernel.3.cloned.1.call-start
scs
__scs_entry_jumppad:
0x0: {  	(pc) =	sbr.rel $0x88, $3  }
0x1: {  	(tag) =	ssettag $0x0;
	lr =	simm.s32 $0x1  }
0x2: {  	[smem:$0x3FA0] =	sst lr;
	_ =	strace $0xD0000000  }
0x3: {  	_ = 	snop  }
0x4: {  	_ = 	snop  }
0x5: {  	_ = 	snop  }
0x6: {  	_ = 	snop  }
0x7: {  	_ = 	snop  }
__scs_overlays_trampoline_lowered:
0x8: {  	[smem:$0x3FAF] =	sst s0  }
0x9: {  	[smem:$0x3FB0] =	sst s1  }
0xa: {  	[smem:$0x3FB1] =	sst s2  }
0xb: {  	[smem:$0x3FB2] =	sst s3  }
0xc: {  	[smem:$0x3FB3] =	sst s4  }
0xd: {  	[smem:$0x3FB4] =	sst s5  }
0xe: {  	[smem:$0x3FB5] =	sst s6  }
0xf: {  	[smem:$0x3FB6] =	sst s7  }
0x10: {  	[smem:$0x3FB7] =	sst s8  }
0x11: {  	[smem:$0x3FB8] =	sst s9;
	s0 =	simm.s32 @!p0 $0x0  }
0x12: {  	s1 =	sld [smem:$0x3F9E];
	s0 =	simm.s32 @p0 $0x1  }
0x13: {  	[smem:$0x3FB9] =	sst s0;
	s0 =	simm.s32 @!p1 $0x0  }
0x14: {  	s2 =	sld [smem:$0x3F9D];
	s0 =	simm.s32 @p1 $0x1  }
0x15: {  	[smem:$0x3FBA] =	sst s0;
	s0 =	simm.s32 @!p2 $0x0  }
0x16: {  	s3 =	sld [smem:$0x3FDB];
	s0 =	simm.s32 @p2 $0x1  }
0x17: {  	s4 =	simm.s32 $0x1BF5;
	[smem:$0x3FBC] =	sst s0  }
0x18: {  	s0 =	sld [smem:$0x3F9F];
	_ =	swait.ge [sflag:s4], $0x0  }
0x19: {  	s7 =	sld [smem:$0x3FA0]  }
0x1a: {  	s8 =	sadd.s32 $0xFFFFE003, lr  }
0x1b: {  	s9 =	sadd.s32 $0xFFFFFEF7, lr;
	s5 =	simm.s32 $0xFFFFFFFF;
	p2 =	slt.u32 s8, $0xFFFFF086  }
0x1c: {  	p1 =	slt.u32 s9, $0xF7A;
	s5 =	simm.s32 @!p2 $0x0  }
0x1d: {  	s5 =	simm.s32 @p1 $0x1;
	p0 =	seq.s32 s7, s2  }
0x1e: {  	s7 =	smul.u32 @!p0 $0xF7A, s2;
	p2 =	seq.s32 @!p0 s5, $0x0  }
0x1f: {  	s9 =	smul.u32 $0xF7A, s1;
	s8 =	simm.s32 @!p0 $0x1BF5;
	p2 =	por !p2, p0  }
0x20: {  	[sflag:s8] =	ssyncset.s32 @!p0 $0xFFFFF086;
	s6 =	sadd.s32 @!p0 s3, s7;
	s7 =	simm.s32 @!p0 $0x108  }
0x21: {  	s3 =	sadd.s32 s3, s9;
	s6 =	sadd.s32 @!p0 $0x88, s6;
	s7 =	simm.s32 @p2 $0x1082  }
0x22: {  	[simem:s7], [sflag:s8] =	dma.local @!p0 [hbm:s6], $0xF7A  }
0x23: {  	s9 =	sor.u32 $0xD0000000, s2;
	s6 =	simm.s32 $0x108;
	_ =	swait.ge @!p0 [sflag:s8], $0x0  }
0x24: {  	s3 =	sadd.s32 $0x88, s3;
	s6 =	simm.s32 @!p1 $0x1082;
	[sflag:s4] =	ssyncset.s32 $0xFFFFF086  }
0x25: {  	[simem:s6], [sflag:s4] =	dma.local [hbm:s3], $0xF7A  }
0x26: {  	[smem:$0x3FA0] =	sst s1;
	(tag) =	ssettag s2;
	_ =	strace s9  }
0x27: {  	s1 =	sld [smem:$0x3FB0]  }
0x28: {  	s2 =	sld [smem:$0x3FB1]  }
0x29: {  	s4 =	sld [smem:$0x3FB3]  }
0x2a: {  	p0 =	seq.s32 s5, $0x0;
	s5 =	sld [smem:$0x3FB4]  }
0x2b: {  	s6 =	sld [smem:$0x3FB5]  }
0x2c: {  	s7 =	sld [smem:$0x3FB6]  }
0x2d: {  	s3 =	simm.s32 $0x108;
	s8 =	sld [smem:$0x3FB7]  }
0x2e: {  	s3 =	simm.s32 @!p0 $0x1082;
	s9 =	sld [smem:$0x3FB8]  }
0x2f: {  	lr =	sadd.s32 s0, s3;
	s0 =	sld [smem:$0x3FAF]  }
0x30: {  	s3 =	sld [smem:$0x3FB2]  }
0x31: {  	[smem:$0x3FBB] =	sst s10  }
0x32: {  	s10 =	sld [smem:$0x3FB9];
	_ =	sdelay $0x3  }
0x33: {  	p0 =	seq.s32 s10, $0x1;
	s10 =	sld [smem:$0x3FBB];
	_ =	sdelay $0x3  }
0x34: {  	[smem:$0x3FBB] =	sst s10  }
0x35: {  	s10 =	sld [smem:$0x3FBA];
	_ =	sdelay $0x3  }
0x36: {  	p1 =	seq.s32 s10, $0x1;
	s10 =	sld [smem:$0x3FBB];
	_ =	sdelay $0x3  }
0x37: {  	[smem:$0x3FBB] =	sst s10  }
0x38: {  	s10 =	sld [smem:$0x3FBC]  }
0x39: {  	_ = 	snop;
	(pc) =	sbr.ind lr, $3  }
0x3a: {  	_ = 	snop  }
0x3b: {  	_ = 	snop  }
0x3c: {  	p2 =	seq.s32 s10, $0x1;
	s10 =	sld [smem:$0x3FBB]  }
0x3d: {  	_ =	shalt  }
0x3e: {  	_ =	shalt  }
0x3f: {  	_ =	shalt  }
0x40: {  	_ =	shalt  }
0x41: {  	_ =	shalt  }
0x42: {  	_ =	shalt  }
0x43: {  	_ =	shalt  }
0x44: {  	_ =	shalt  }
0x45: {  	_ =	shalt  }
0x46: {  	_ =	shalt  }
0x47: {  	_ =	shalt  }
0x48: {  	_ =	shalt  }
0x49: {  	_ =	shalt  }
0x4a: {  	_ =	shalt  }
0x4b: {  	_ =	shalt  }
0x4c: {  	_ =	shalt  }
0x4d: {  	_ =	shalt  }
0x4e: {  	_ =	shalt  }
0x4f: {  	_ =	shalt  }
0x50: {  	_ =	shalt  }
0x51: {  	_ =	shalt  }
0x52: {  	_ =	shalt  }
0x53: {  	_ =	shalt  }
0x54: {  	_ =	shalt  }
0x55: {  	_ =	shalt  }
0x56: {  	_ =	shalt  }
0x57: {  	_ =	shalt  }
0x58: {  	_ =	shalt  }
0x59: {  	_ =	shalt  }
0x5a: {  	_ =	shalt  }
0x5b: {  	_ =	shalt  }
0x5c: {  	_ =	shalt  }
0x5d: {  	_ =	shalt  }
0x5e: {  	_ =	shalt  }
0x5f: {  	_ =	shalt  }
0x60: {  	_ =	shalt  }
0x61: {  	_ =	shalt  }
0x62: {  	_ =	shalt  }
0x63: {  	_ =	shalt  }
0x64: {  	_ =	shalt  }
0x65: {  	_ =	shalt  }
0x66: {  	_ =	shalt  }
0x67: {  	_ =	shalt  }
0x68: {  	_ =	shalt  }
0x69: {  	_ =	shalt  }
0x6a: {  	_ =	shalt  }
0x6b: {  	_ =	shalt  }
0x6c: {  	_ =	shalt  }
0x6d: {  	_ =	shalt  }
0x6e: {  	_ =	shalt  }
0x6f: {  	_ =	shalt  }
0x70: {  	_ =	shalt  }
0x71: {  	_ =	shalt  }
0x72: {  	_ =	shalt  }
0x73: {  	_ =	shalt  }
0x74: {  	_ =	shalt  }
0x75: {  	_ =	shalt  }
0x76: {  	_ =	shalt  }
0x77: {  	_ =	shalt  }
0x78: {  	_ =	shalt  }
0x79: {  	_ =	shalt  }
0x7a: {  	_ =	shalt  }
0x7b: {  	_ =	shalt  }
0x7c: {  	_ =	shalt  }
0x7d: {  	_ =	shalt  }
0x7e: {  	_ =	shalt  }
0x7f: {  	_ =	shalt  }
0x80: {  	_ =	shalt  }
0x81: {  	_ =	shalt  }
0x82: {  	_ =	shalt  }
0x83: {  	_ =	shalt  }
0x84: {  	_ =	shalt  }
0x85: {  	_ =	shalt  }
0x86: {  	_ =	shalt  }
0x87: {  	_ =	shalt  }
.Lfunc_end0:
.L_simem_size_0:
called_computation_lowered:
.L_overlay_start_0:
0x88: {  	s2 =	sld [smem:$0x3FD9]  }
0x89: {  	s3 =	sld [smem:$0x3FFE];
	_ =	sdelay $0x1  }
0x8a: {  	s1 =	srdreg.scid  }
0x8b: {  	s0 =	sand.u32 $0x1, s1  }
0x8c: {  	s17 =	sshll.u32 s0, $0xA;
	s2 =	sadd.s32 s3, s2  }
0x8d: {  	s2 =	sadd.s32 s2, s17  }
0x8e: {  	[smem:$0x3FC7] =	sst s2  }
0x8f: {  	_ = 	snop  }
0x90: {  	s2 =	sld [smem:$0x3FD0];
	(tm) =	ssettm $0x1  }
0x91: {  	s18 =	sld [smem:$0x3FFB];
	_ =	sdelay $0x3  }
0x92: {  	_ =	strace s18  }
0x93: {  	s3 =	sld [smem:$0x3FFC];
	_ =	sdelay $0x3  }
0x94: {  	_ =	strace s3  }
0x95: {  	s3 =	sld [smem:$0x3FFD];
	_ =	sdelay $0x3  }
0x96: {  	_ =	strace s3  }
0x97: {  	_ =	strace $0x8FFFFFFF  }
0x98: {  	s19 =	sld [smem:$0x3FDB];
	_ =	sdelay $0x1  }
0x99: {  	s4 =	simm.s32 $_scs_section_size  }
0x9a: {  	s5 =	simm.s32 $_size__tile_overlayer_lowered;
	s6 =	simm.s32 $_tile_overlayer_lowered  }
0x9b: {  	s22 =	simm.s32 $0x1BFF;
	s21 =	sshll.u32 s6, $0x1;
	s3 =	sadd.s32 s4, s19  }
0x9c: {  	s7 =	simm.s32 $0x0;
	s20 =	sshll.u32 s5, $0x1;
	s5 =	sadd.s32 s21, s3  }
0x9d: {  	[timem:s7], [sflag:s22] =	dma.local [hbm:s5], s20  }
0x9e: {  	_ =	swait.ge [sflag:s22], s20  }
0x9f: {  	s4 =	ssub.s32 $0x0, s20;
	[sflag:s22] =	ssyncset.done $0x0  }
0xa0: {  	[sflag:s22] =	ssyncadd.s32 s4;
	_ =	sdelay $0x1  }
0xa1: {  	s23 =	simm.s32 $0x1B8B  }
0xa2: {  	_ =	swait.ge [sflag:s23], $0x1  }
0xa3: {  	[sflag:s23] =	ssyncset.done $0x0  }
0xa4: {  	s25 =	simm.s32 $0x1B8E;
	s24 =	sld [smem:$0x3FFE];
	[sflag:s23] =	ssyncadd.s32 $0xFFFFFFFF  }
0xa5: {  	s26 =	simm.s32 $execute0_lowered;
	[smem:$0x3FD2] =	sst s25  }
0xa6: {  	s5 =	sshll.u32 s26, $0x1;
	_ =	strace $0x80000046;
	[dreg:$0x1] =	wrdreg $0xFFFFFFFF  }
0xa7: {  	s28 =	simm.s32 $_size_execute0_lowered;
	s3 =	sadd.s32 s3, s5;
	[dreg:$0x0] =	wrdreg $0x0  }
0xa8: {  	s5 =	sshll.u32 s28, $0x1;
	[dreg:$0x2] =	wrdreg s3  }
0xa9: {  	[dreg:$0x3] =	wrdreg s5  }
0xaa: {  	[dreg:$0x4] =	wrdreg $0xC0  }
0xab: {  	_ =	task [dreg:s7], $0x5FFFF  }
0xac: {  	[dreg:$0x1] =	wrdreg $0xFFFFFFFF  }
0xad: {  	[dreg:$0x0] =	wrdreg $0x60  }
0xae: {  	[dreg:$0x2] =	wrdreg s2  }
0xaf: {  	[dreg:$0x3] =	wrdreg s24  }
0xb0: {  	[dreg:$0x4] =	wrdreg $0x9  }
0xb1: {  	_ =	task.clear_ibuf [dreg:s7], $0x5FFFF;
	_ =	strace $0x90000046  }
0xb2: {  	s29 =	simm.s32 $0x9;
	_ =	strace $0x80000048  }
0xb3: {  	_ =	swait.ge [sflag:s29], $0x1  }
0xb4: {  	[sflag:s29] =	ssyncadd.s32 $0xFFFFFFFF  }
0xb5: {  	_ =	strace $0x90000048  }
0xb6: {  	_ =	sfence  }
0xb7: {  	s30 =	sld [smem:$0x0];
	_ =	sdelay $0x2  }
0xb8: {  	s31 =	sshll.u32 s1, $0xD;
	s1 =	sshrl.u32 s1, $0x2  }
0xb9: {  	s3 =	sand.u32 $0x4000, s31;
	s1 =	sadd.s32 s1, s30  }
0xba: {  	s0 =	sor.u32 s3, s0;
	s1 =	sshll.u32 s1, $0x11  }
0xbb: {  	s0 =	sor.u32 s1, s0  }
0xbc: {  	s0 =	sadd.s32 $0x8F2B, s0  }
0xbd: {  	[sflag:s0] =	ssyncadd.remote.s32 $0x1  }
0xbe: {  	_ =	sfence.sel $0xFFFF  }
0xbf: {  	[dreg:$0x0] =	wrdreg $0xFFFFFFFF;
	(pc) =	sbr.abs _section_cstart, $3  }
0xc0: {  	[dreg:$0x1] =	wrdreg $0xFFFFFFFF  }
0xc1: {  	_ =	task.clear_ibuf [dreg:s7], $0x2FFFF;
	_ =	strace $0x9FFFFFFF  }
0xc2: {  	(tm) =	ssettm $0x7FFFFFFF  }
0xc3: {  	_ =	shalt  }
tec
execute0_lowered:
.L_overlay_start_1:
0x0: {  	(tag) =	ssettag $0x1  }
0x1: {  	v1 =	vimm.s32 $0x2380;
	vm0 =	vcmask $0x300;
	vm1 =	vcmask $0x704  }
0x2: {  	v2 =	vimm.s32 $0x6380;
	vm2 =	vcmask $0xB08;
	vm4 =	vcmask $0xF0C  }
0x3: {  	vm5 =	vcmask $0x1310;
	v1 =	vsel vm0, $0x0, v1;
	v2 =	vsel vm0, $0x4000, v2  }
0x4: {  	vm6 =	vcmask $0x1714;
	v1 =	vsel vm1, $0x80, v1;
	v2 =	vsel vm1, $0x4080, v2  }
0x5: {  	vm7 =	vcmask $0x1B18;
	v1 =	vsel vm2, $0x100, v1;
	v2 =	vsel vm2, $0x4100, v2  }
0x6: {  	vm8 =	vcmask $0x1F1C;
	v1 =	vsel vm4, $0x180, v1;
	v2 =	vsel vm4, $0x4180, v2  }
0x7: {  	s4 =	rddreg [dreg:$0x0];
	vm9 =	vcmask $0x2320;
	v1 =	vsel vm5, $0x200, v1;
	v2 =	vsel vm5, $0x4200, v2  }
0x8: {  	s5 =	rddreg [dreg:$0x1];
	vm10 =	vcmask $0x2724;
	v1 =	vsel vm6, $0x280, v1;
	v2 =	vsel vm6, $0x4280, v2  }
0x9: {  	s0 =	rddreg [dreg:$0x2];
	s1 =	simm.s32 $0x0;
	s3 =	srdreg.scid;
	vm11 =	vcmask $0x2B28;
	v1 =	vsel vm7, $0x300, v1;
	v2 =	vsel vm7, $0x4300, v2  }
0xa: {  	s2 =	stileid.u32;
	vm12 =	vcmask $0x2F2C;
	s11 =	simm.s32 $0x2;
	s12 =	simm.s32 $0x0;
	v1 =	vsel vm8, $0x380, v1;
	v2 =	vsel vm8, $0x4380, v2  }
0xb: {  	vm13 =	vcmask $0x3330;
	[smem:$0x7FF] =	sst s1;
	s6 =	sand.u32 $0x1, s3;
	s7 =	sshll.u32 s2, $0x14;
	v1 =	vsel vm9, $0x2000, v1;
	v2 =	vsel vm9, $0x6000, v2  }
0xc: {  	v0 =	vlaneseq.u32;
	s3 =	sadd.s32 $0x400, s5;
	s9 =	sshll.u32 s2, $0xC;
	_ =	strace $0x80000047;
	v1 =	vsel vm10, $0x2080, v1;
	v2 =	vsel vm10, $0x6080, v2  }
0xd: {  	vm14 =	vcmask $0x3734;
	s8 =	ssub.s32 $0x2, s6;
	s5 =	sadd.s32 s7, s5;
	s10 =	sshll.u32 s6, $0xB;
	v1 =	vsel vm11, $0x2100, v1;
	v2 =	vsel vm11, $0x6100, v2  }
0xe: {  	vm15 =	vcmask $0x3B38;
	s6 =	sshll.u32 s6, $0x13;
	s30 =	sshrl.u32 s8, $0x1;
	s31 =	sor.u32 s10, s9;
	v1 =	vsel vm12, $0x2180, v1;
	v2 =	vsel vm12, $0x6180, v2  }
0xf: {  	v5 =	vimm.f32 $0.0e+00;
	s6 =	sadd.s32 s6, s5;
	s9 =	simm.s32 $0xC000;
	s10 =	simm.s32 $0x1;
	v1 =	vsel vm13, $0x2200, v1;
	v3 =	vsel vm13, $0x6200, v2  }
0x10: {  	s7 =	ssub.s32 s8, s30;
	s4 =	sadd.s32 s4, s31;
	s6 =	sadd.s32 $0x1400, s6;
	v2 =	vimm.f32 $1.000000000e+00;
	v1 =	vsel vm14, $0x2280, v1;
	v4 =	vsel vm14, $0x6280, v3  }
0x11: {  	s8 =	simm.s32 $0x4000;
	s5 =	smax.u32 s7, $0x1;
	s7 =	simm.s32 $0x3;
	v3 =	vor.u32 $0x10, v0;
	v1 =	vsel vm15, $0x2300, v1;
	v4 =	vsel vm15, $0x6300, v4  }
.LBB2_1:
0x12: {  	[tilespmem:s1], [sflag:$0x3] =	stream.linear.gather [hbm4b:s4+s1], $0x4000, $0x38;
	[tilespmem:$0x14000] =	vst v63  }
0x13: {  	_ =	swait.ge [sflag:s7], $0x4000  }
0x14: {  	[sflag:s7] =	ssyncset.done $0x0  }
0x15: {  	[sflag:s7] =	ssyncadd.s32 $0xFFFFC000  }
0x16: {  	[tilespmem:s8], [sflag:$0x3] =	stream.linear.gather [hbm4b:s3+s1], $0x8000, $0x38;
	[tilespmem:$0x14000] =	vst v63  }
0x17: {  	_ =	swait.ge [sflag:s7], $0x8000  }
0x18: {  	[sflag:s7] =	ssyncset.done $0x0  }
0x19: {  	[sflag:s7] =	ssyncadd.s32 $0xFFFF8000  }
0x1a: {  	[tilespmem:s9], [sflag:$0x3] =	stream.linear.gather [hbm4b:s3+s1], $0x8000, $0x38;
	[tilespmem:$0x14000] =	vst v63  }
0x1b: {  	_ =	swait.ge [sflag:s7], $0x8000  }
0x1c: {  	[sflag:s7] =	ssyncset.done $0x0  }
0x1d: {  	s13 =	smov.u32 s6;
	s14 =	simm.s32 $0x1;
	[sflag:s7] =	ssyncadd.s32 $0xFFFF8000  }
.LBB2_2:
0x1e: {  	p0 =	seq.s32 s14, $0x1  }
0x1f: {  	s15 =	sshll.u32 @!p0 s14, $0x7  }
0x20: {  	s15 =	sadd.s32 @!p0 $0xFFFFFE80, s15  }
0x21: {  	v6 =	vor.u32 @!p0 s15, v0;
	_ =	sdelay $0x1  }
0x22: {  	_ =	swait.ge @!p0 [sflag:s10], $0x8000  }
0x23: {  	[sflag:s10] =	ssyncset.done @!p0 $0x0  }
0x24: {  	[sflag:s10] =	ssyncadd.s32 @!p0 $0xFFFF8000  }
0x25: {  	v6 =	vld.idx.msk @!p0 [tilespmem:v6+s1+$0x0], $0xffff;
	_ =	sdelay $0x4  }
0x26: {  	v7 =	vshll.u32 @!p0 v6, $0x3  }
0x27: {  	v6 =	vand.u32 @!p0 $0x7F, v6;
	v7 =	vand.u32 @!p0 $0xFFFFFC00, v7  }
0x28: {  	v6 =	vor.u32 @!p0 v6, v7  }
0x29: {  	v6 =	vadd.s32 @!p0 v1, v6  }
0x2a: {  	v7 =	vor.u32 @!p0 s15, v3;
	_ =	sdelay $0x3  }
0x2b: {  	[tilespmem:v6+s8+$0x0] =	vst.idx.msk @!p0 $0xffff, v5  }
0x2c: {  	v6 =	vld.idx.msk @!p0 [tilespmem:v7+s1+$0x0], $0x3ff;
	_ =	sdelay $0x4  }
0x2d: {  	v7 =	vshll.u32 @!p0 v6, $0x3  }
0x2e: {  	v6 =	vand.u32 @!p0 $0x7F, v6;
	v7 =	vand.u32 @!p0 $0xFFFFFC00, v7  }
0x2f: {  	v6 =	vor.u32 @!p0 v6, v7  }
0x30: {  	v6 =	vadd.s32 @!p0 v4, v6;
	_ =	sdelay $0x2  }
0x31: {  	s29 =	sadd.s32 $0xFFFFFFFF, s14  }
0x32: {  	s15 =	sshll.u32 s29, $0x7  }
0x33: {  	[tilespmem:v6+s8+$0x0] =	vst.idx.msk @!p0 $0x3ff, v5;
	v6 =	vor.u32 s15, v0;
	_ =	sdelay $0x4  }
0x34: {  	v6 =	vld.idx.msk [tilespmem:v6+s1+$0x0], $0xffff;
	_ =	sdelay $0x4  }
0x35: {  	v7 =	vshll.u32 v6, $0x3  }
0x36: {  	v6 =	vand.u32 $0x7F, v6;
	v7 =	vand.u32 $0xFFFFFC00, v7  }
0x37: {  	v6 =	vor.u32 v6, v7  }
0x38: {  	v6 =	vadd.s32 v1, v6  }
0x39: {  	v7 =	vor.u32 s15, v3;
	_ =	sdelay $0x3  }
0x3a: {  	[tilespmem:v6+s8+$0x0] =	vst.idx.msk $0xffff, v2  }
0x3b: {  	v6 =	vld.idx.msk [tilespmem:v7+s1+$0x0], $0x3ff;
	_ =	sdelay $0x4  }
0x3c: {  	v7 =	vshll.u32 v6, $0x3  }
0x3d: {  	v6 =	vand.u32 $0x7F, v6;
	v7 =	vand.u32 $0xFFFFFC00, v7  }
0x3e: {  	v6 =	vor.u32 v6, v7  }
0x3f: {  	v6 =	vadd.s32 v4, v6;
	_ =	sdelay $0x2  }
0x40: {  	s15 =	sshll.u32 @!p0 s14, $0x7  }
0x41: {  	s15 =	sadd.s32 @!p0 $0xFFFFFF00, s15  }
0x42: {  	[tilespmem:v6+s8+$0x0] =	vst.idx.msk $0x3ff, v2;
	v6 =	vor.u32 @!p0 s15, v0  }
0x43: {  	[hbm4b:s13+s1] =	stream.linear.scatter [tilespmem:s8], [sflag:$0x1], $0x8000, $0x38;
	[tilespmem:$0x14000] =	vst v63  }
0x44: {  	_ =	swait.ge @!p0 [sflag:s11], $0x8000  }
0x45: {  	[sflag:s11] =	ssyncset.done @!p0 $0x0  }
0x46: {  	[sflag:s11] =	ssyncadd.s32 @!p0 $0xFFFF8000  }
0x47: {  	v6 =	vld.idx.msk @!p0 [tilespmem:v6+s1+$0x0], $0xffff;
	_ =	sdelay $0x4  }
0x48: {  	v7 =	vshll.u32 @!p0 v6, $0x3  }
0x49: {  	v6 =	vand.u32 @!p0 $0x7F, v6;
	v7 =	vand.u32 @!p0 $0xFFFFFC00, v7  }
0x4a: {  	v6 =	vor.u32 @!p0 v6, v7  }
0x4b: {  	v6 =	vadd.s32 @!p0 v1, v6  }
0x4c: {  	v7 =	vor.u32 @!p0 s15, v3;
	_ =	sdelay $0x3  }
0x4d: {  	[tilespmem:v6+s9+$0x0] =	vst.idx.msk @!p0 $0xffff, v5  }
0x4e: {  	v6 =	vld.idx.msk @!p0 [tilespmem:v7+s1+$0x0], $0x3ff;
	_ =	sdelay $0x4  }
0x4f: {  	v7 =	vshll.u32 @!p0 v6, $0x3  }
0x50: {  	v6 =	vand.u32 @!p0 $0x7F, v6;
	v7 =	vand.u32 @!p0 $0xFFFFFC00, v7  }
0x51: {  	v6 =	vor.u32 @!p0 v6, v7  }
0x52: {  	v6 =	vadd.s32 @!p0 v4, v6;
	_ =	sdelay $0x3  }
0x53: {  	s30 =	sshll.u32 s14, $0x7  }
0x54: {  	[tilespmem:v6+s9+$0x0] =	vst.idx.msk @!p0 $0x3ff, v5;
	v6 =	vor.u32 s30, v0;
	_ =	sdelay $0x4  }
0x55: {  	v6 =	vld.idx.msk [tilespmem:v6+s1+$0x0], $0xffff;
	_ =	sdelay $0x4  }
0x56: {  	v7 =	vshll.u32 v6, $0x3  }
0x57: {  	v6 =	vand.u32 $0x7F, v6;
	v7 =	vand.u32 $0xFFFFFC00, v7  }
0x58: {  	v6 =	vor.u32 v6, v7  }
0x59: {  	v6 =	vadd.s32 v1, v6  }
0x5a: {  	v7 =	vor.u32 s30, v3;
	_ =	sdelay $0x3  }
0x5b: {  	[tilespmem:v6+s9+$0x0] =	vst.idx.msk $0xffff, v2  }
0x5c: {  	v6 =	vld.idx.msk [tilespmem:v7+s1+$0x0], $0x3ff;
	_ =	sdelay $0x4  }
0x5d: {  	v7 =	vshll.u32 v6, $0x3  }
0x5e: {  	v6 =	vand.u32 $0x7F, v6;
	v7 =	vand.u32 $0xFFFFFC00, v7  }
0x5f: {  	v6 =	vor.u32 v6, v7  }
0x60: {  	s14 =	sadd.s32 $0x2, s14;
	v6 =	vadd.s32 v4, v6  }
0x61: {  	p0 =	sne.s32 s14, $0x81  }
.Ltmp0:
0x62: {  	_ = 	snop;
	(pc) =	sbr.rel @p0 .LBB2_2-.Ltmp0, $3  }
0x63: {  	_ =	sdelay $0x1  }
0x64: {  	s31 =	sadd.s32 $0x1000, s13;
	s13 =	sadd.s32 $0x2000, s13;
	[tilespmem:v6+s9+$0x0] =	vst.idx.msk $0x3ff, v2  }
0x65: {  	[hbm4b:s31+s1] =	stream.linear.scatter [tilespmem:s9], [sflag:$0x2], $0x8000, $0x38;
	[tilespmem:$0x14000] =	vst v63  }
0x66: {  	s12 =	sadd.s32 $0x1, s12  }
0x67: {  	_ =	swait.ge [sflag:s10], $0x8000;
	p0 =	sne.s32 s12, s5  }
.Ltmp1:
0x68: {  	[sflag:s10] =	ssyncset.done $0x0;
	(pc) =	sbr.rel @p0 .LBB2_1-.Ltmp1, $4  }
0x69: {  	[sflag:s10] =	ssyncadd.s32 $0xFFFF8000  }
0x6a: {  	_ =	swait.ge [sflag:s11], $0x8000  }
0x6b: {  	[sflag:s11] =	ssyncset.done $0x0  }
0x6c: {  	[sflag:s11] =	ssyncadd.s32 $0xFFFF8000  }
0x6d: {  	_ =	sfence.sel $0x180000  }
0x6e: {  	[bflag:$0x0] =	sbarrier.arrive $0xFFFF  }
0x6f: {  	p0 =	sne.s32 s2, $0x0;
	_ =	strace $0x90000047  }
0x70: {  	s0 =	sadd.s32 @!p0 $0x100000, s0;
	[bflag:$0x2] =	sbarrier.arrive $0xFFFF  }
0x71: {  	[sflag:s0] =	ssyncadd.tile.s32 @!p0 $0x1;
	_ =	shalt  }
.Lfunc_end2:
_tile_overlayer_lowered:
.L_overlay_start_2:
0x72: {  	(tag) =	ssettag $0x2  }
0x73: {  	s0 =	rddreg [dreg:$0x0];
	s2 =	stileid.u32  }
0x74: {  	s1 =	rddreg [dreg:$0x1];
	p0 =	sne.s32 s2, $0x0  }
0x75: {  	s3 =	rddreg [dreg:$0x2];
	[bflag:$0x3] =	sbarrier.arrive $0xFFFF;
	s2 =	simm.s32 @!p0 $0x1C03  }
0x76: {  	[timem:s3], [sflag:s2] =	dma.local @!p0 [hbm:s0], s1  }
0x77: {  	s0 =	simm.s32 @!p0 $0x3  }
0x78: {  	_ =	swait.ge @!p0 [sflag:s0], s1  }
0x79: {  	s1 =	ssub.s32 @!p0 $0x0, s1;
	[sflag:s0] =	ssyncset.done @!p0 $0x0  }
0x7a: {  	[sflag:s0] =	ssyncadd.s32 @!p0 s1  }
0x7b: {  	[bflag:$0x3] =	sbarrier.arrive $0xFFFF  }
0x7c: {  	_ =	shalt  }

</sc_bundles>
